<compile_context>
chip_gen: v7x
topology: tpu7x:2x2x1
jax: 0.10.2.dev20260603
libtpu: 0.0.44.dev20260713+nightly
codegen_flags: <defaults>
</compile_context>

<pallas_src>
import functools

import jax
import jax.numpy as jnp
from jax import lax
from jax.experimental import pallas as pl
from jax.experimental.pallas import tpu as pltpu
from jax.experimental.pallas import tpu_sc as plsc

_BLK = 65536
_LANES = 16


def _scan_body(x_ref, y_ref, z_ref, rx_ref, ry_ref, rz_ref,
               vals_ref, args_ref, *, blk, n_points):
    b = pl.program_id(0)
    rem = n_points - b * blk
    ok = lax.broadcasted_iota(jnp.int32, (1, blk), 1) < rem
    x = jnp.where(ok, x_ref[...].reshape(1, blk), 1e9)
    y = jnp.where(ok, y_ref[...].reshape(1, blk), 1e9)
    z = jnp.where(ok, z_ref[...].reshape(1, blk), 1e9)
    dx = x - rx_ref[...]
    dy = y - ry_ref[...]
    dz = z - rz_ref[...]
    d2 = (dx * dx + dy * dy) + dz * dz
    lv = jnp.min(d2, axis=1)
    pos = lax.broadcasted_iota(jnp.int32, d2.shape, 1)
    big = jnp.iinfo(jnp.int32).max
    la = jnp.min(jnp.where(d2 == lv[:, None], pos, big), axis=1)
    vals_ref[...] = lv.reshape(1, 1, -1)
    args_ref[...] = (la + b * blk).reshape(1, 1, -1)


def _stage_a(xf, yf, zf, rx, ry, rz, num_blocks, blk, n_points):
    nb = rx.shape[0]
    coord_spec = pl.BlockSpec((blk,), lambda b: (b,))
    recv_spec = pl.BlockSpec((nb, 1), lambda b: (0, 0))
    out_spec = pl.BlockSpec((1, 1, nb), lambda b: (b, 0, 0))
    return pl.pallas_call(
        functools.partial(_scan_body, blk=blk, n_points=n_points),
        grid=(num_blocks,),
        in_specs=[coord_spec, coord_spec, coord_spec,
                  recv_spec, recv_spec, recv_spec],
        out_specs=[out_spec, out_spec],
        out_shape=[
            jax.ShapeDtypeStruct((num_blocks, 1, nb), jnp.float32),
            jax.ShapeDtypeStruct((num_blocks, 1, nb), jnp.int32),
        ],
        compiler_params=pltpu.CompilerParams(
            dimension_semantics=("arbitrary",)),
    )(xf, yf, zf, rx, ry, rz)


def _make_sc_finish(num_blocks, n_recv, n_points):
    n_groups = n_recv // _LANES
    n_tiles = 16
    zchunk = (n_points // (n_tiles * _LANES)) * _LANES
    tail = n_points - zchunk * n_tiles
    n_cl = 3 * n_recv
    n_oh = n_recv + _LANES

    mesh = plsc.VectorSubcoreMesh(core_axis_name="c", subcore_axis_name="s",
                                  num_cores=2, num_subcores=16)

    @functools.partial(
        pl.kernel,
        out_type=[
            jax.ShapeDtypeStruct((n_recv,), jnp.int32),
            jax.ShapeDtypeStruct((n_cl,), jnp.float32),
            jax.ShapeDtypeStruct((n_points,), jnp.float32),
        ],
        mesh=mesh,
        scratch_types=[
            pltpu.VMEM((num_blocks, 1, n_recv), jnp.float32),
            pltpu.VMEM((num_blocks, 1, n_recv), jnp.int32),
            pltpu.VMEM((zchunk,), jnp.float32),
            pltpu.VMEM((n_recv,), jnp.int32),
            pltpu.VMEM((n_recv,), jnp.float32),
            pltpu.VMEM((n_cl,), jnp.float32),
            pltpu.VMEM((n_oh,), jnp.int32),
            pltpu.VMEM((n_oh,), jnp.float32),
            pltpu.SemaphoreType.DMA,
        ],
        compiler_params=pltpu.CompilerParams(needs_layout_passes=False),
    )
    def sc_finish(vals_hbm, args_hbm, xf_hbm, yf_hbm, zf_hbm,
                  minidx_hbm, closest_hbm, oh_hbm,
                  vals_v, args_v, zero_v, minidx_v, cl_v, clflat_v,
                  ohpos_v, ones_v, sem):
        cid = lax.axis_index("c")
        sid = lax.axis_index("s")
        active = cid == 0
        leader = jnp.logical_and(active, sid == 0)

        @pl.when(active)
        def _():
            def zbody(i, c):
                zero_v[pl.ds(i * _LANES, _LANES)] = jnp.zeros(
                    (_LANES,), jnp.float32)
                return c
            lax.fori_loop(0, zchunk // _LANES, zbody, 0)
            pltpu.sync_copy(zero_v, oh_hbm.at[pl.ds(sid * zchunk, zchunk)])

        @pl.when(leader)
        def _():
            if tail:
                pltpu.sync_copy(zero_v.at[pl.ds(0, tail)],
                                oh_hbm.at[pl.ds(n_tiles * zchunk, tail)])

        plsc.subcore_barrier()

        @pl.when(leader)
        def _():
            pltpu.sync_copy(vals_hbm, vals_v)
            pltpu.sync_copy(args_hbm, args_v)

            inf16 = jnp.full((_LANES,), jnp.inf, jnp.float32)
            zero16 = jnp.zeros((_LANES,), jnp.int32)
            iota16 = lax.iota(jnp.int32, _LANES)

            def mbody(b, carry):
                new = []
                for g in range(n_groups):
                    cv, ci = carry[2 * g], carry[2 * g + 1]
                    rv = vals_v[b, 0, pl.ds(g * _LANES, _LANES)]
                    ri = args_v[b, 0, pl.ds(g * _LANES, _LANES)]
                    m = rv < cv
                    new.append(jnp.where(m, rv, cv))
                    new.append(jnp.where(m, ri, ci))
                return tuple(new)

            init = tuple(x for _ in range(n_groups) for x in (inf16, zero16))
            res = lax.fori_loop(0, num_blocks, mbody, init)
            for g in range(n_groups):
                minidx_v[pl.ds(g * _LANES, _LANES)] = res[2 * g + 1]
            pltpu.sync_copy(minidx_v, minidx_hbm)

            base3 = iota16 * 3
            for c, src in enumerate((xf_hbm, yf_hbm, zf_hbm)):
                pltpu.async_copy(src.at[minidx_v], cl_v, sem).wait()
                for g in range(n_groups):
                    chunk = cl_v[pl.ds(g * _LANES, _LANES)]
                    plsc.store_scatter(
                        clflat_v, [base3 + (3 * _LANES * g + c)], chunk)
            pltpu.sync_copy(clflat_v, closest_hbm)

            for g in range(n_groups):
                ohpos_v[pl.ds(g * _LANES, _LANES)] = res[2 * g + 1]
            ohpos_v[pl.ds(n_recv, _LANES)] = zero16
            for t in range(n_oh // _LANES):
                ones_v[pl.ds(t * _LANES, _LANES)] = jnp.ones(
                    (_LANES,), jnp.float32)
            pltpu.async_copy(ones_v, oh_hbm.at[ohpos_v], sem).wait()

    return sc_finish


def kernel(mesh_3D, receiver_pos):
    lx, ly, lz, _ = mesh_3D.shape
    n_points = lx * ly * lz
    n_recv = receiver_pos.shape[0]
    assert n_recv % _LANES == 0 and n_recv > 1

    xf = mesh_3D[..., 0].reshape(-1)
    yf = mesh_3D[..., 1].reshape(-1)
    zf = mesh_3D[..., 2].reshape(-1)
    blk = _BLK
    num_blocks = -(-n_points // blk)

    rx = receiver_pos[:, 0:1]
    ry = receiver_pos[:, 1:2]
    rz = receiver_pos[:, 2:3]

    vals, args = _stage_a(xf, yf, zf, rx, ry, rz, num_blocks, blk, n_points)

    sc_finish = _make_sc_finish(num_blocks, n_recv, n_points)
    min_index, closest_flat, one_hot = sc_finish(vals, args, xf, yf, zf)

    input_tensor = jnp.concatenate(
        [xf[:, None], yf[:, None], zf[:, None], one_hot[:, None]],
        axis=1).astype(jnp.float32)
    closest_points = closest_flat.reshape(n_recv, 3)
    return (input_tensor, closest_points, min_index)

# --- scband reference (transcript-rebuilt; emitter-appended) ---
"""Pipeline reference for scband-one-hot-encoding-63814624084361 (READ-ONLY COPY).

The authoritative reference and input builder live on the scoring server;
editing this copy changes nothing except your own understanding.
"""

import jax, jax.numpy as jnp
import numpy as np


def setup_inputs(seed: int = 0) -> dict:
    key = jax.random.key(seed)
    k1, k2 = jax.random.split(key)
    mesh_3D = jax.random.normal(k1, (100, 100, 100, 3), dtype=jnp.float32) * 5.0
    receiver_pos = jax.random.normal(k2, (64, 3), dtype=jnp.float32) * 5.0
    return {"mesh_3D": mesh_3D, "receiver_pos": receiver_pos}


def reference(mesh_3D, receiver_pos):
    # Flatten meshgrid coordinates: L = Lx*Ly*Lz
    X_flat = mesh_3D[..., 0].reshape(-1)
    Y_flat = mesh_3D[..., 1].reshape(-1)
    Z_flat = mesh_3D[..., 2].reshape(-1)
    # Brute-force 1-NN: distances [B, L]
    dx = X_flat[None, :] - receiver_pos[:, 0:1]
    dy = Y_flat[None, :] - receiver_pos[:, 1:2]
    dz = Z_flat[None, :] - receiver_pos[:, 2:3]
    distances = jnp.sqrt(dx * dx + dy * dy + dz * dz)
    min_index = jnp.argmin(distances, axis=1).astype(jnp.int32)  # [B]
    # One-hot encoding over mesh points (scatter-overwrite)
    one_hot = jnp.zeros_like(X_flat)
    one_hot = one_hot.at[min_index].set(1.0)
    # Faithful replication of the torch loop artifact: in intermediate iterations
    # min_index still contains zeros, so one_hot[0] gets set to 1 whenever B > 1.
    if receiver_pos.shape[0] > 1:
        one_hot = one_hot.at[0].set(1.0)
    # Gather closest mesh points per receiver
    closest_points = jnp.stack([
        jnp.take(X_flat, min_index),
        jnp.take(Y_flat, min_index),
        jnp.take(Z_flat, min_index),
    ], axis=1)
    input_tensor = jnp.concatenate([
        X_flat[:, None], Y_flat[:, None], Z_flat[:, None], one_hot[:, None]
    ], axis=1).astype(jnp.float32)
    return (input_tensor, closest_points, min_index)

if __name__ == "__main__":
    import jax
    _d = setup_inputs()
    print(jax.jit(kernel)(*tuple(_d.values())))

</pallas_src>

<mosaic_0001>
#map = affine_map<(d0, d1) -> (0, 0, 0)>
#map1 = affine_map<(d0, d1) -> (0)>
module attributes {stable_mosaic.version = 14 : i64} {
  func.func @sc_finish(%arg0: i32, %arg1: i32, %arg2: memref<16x1x64xf32, #tpu.memory_space<hbm>>, %arg3: memref<16x1x64xi32, #tpu.memory_space<hbm>>, %arg4: memref<1000000xf32, #tpu.memory_space<hbm>>, %arg5: memref<1000000xf32, #tpu.memory_space<hbm>>, %arg6: memref<1000000xf32, #tpu.memory_space<hbm>>, %arg7: memref<64xi32, #tpu.memory_space<hbm>>, %arg8: memref<192xf32, #tpu.memory_space<hbm>>, %arg9: memref<1000000xf32, #tpu.memory_space<hbm>>, %arg10: memref<16x1x64xf32, #tpu.memory_space<vmem>>, %arg11: memref<16x1x64xi32, #tpu.memory_space<vmem>>, %arg12: memref<62496xf32, #tpu.memory_space<vmem>>, %arg13: memref<64xi32, #tpu.memory_space<vmem>>, %arg14: memref<64xf32, #tpu.memory_space<vmem>>, %arg15: memref<192xf32, #tpu.memory_space<vmem>>, %arg16: memref<80xi32, #tpu.memory_space<vmem>>, %arg17: memref<80xf32, #tpu.memory_space<vmem>>, %arg18: memref<!tpu.dma_semaphore, #tpu.memory_space<semaphore_mem>>) attributes {dimension_semantics = [#tpu.dimension_semantics<core_parallel>, #tpu.dimension_semantics<subcore_parallel>], iteration_bounds = array<i64: 2, 16>, scalar_prefetch = 0 : i64, scratch_operands = 9 : i64, tpu.core_type = #tpu.core_type<sc_vector_subcore>, window_params = [{transform_indices = #map}, {transform_indices = #map}, {transform_indices = #map1}, {transform_indices = #map1}, {transform_indices = #map1}, {transform_indices = #map1}, {transform_indices = #map1}, {transform_indices = #map1}]} {
    %eq3A = arith.constant 0 : i32
    %eq3A_0 = arith.cmpi eq, %arg0, %eq3A : i32
    %eq3A_1 = arith.constant 0 : i32
    %eq3A_2 = arith.cmpi eq, %arg1, %eq3A_1 : i32
    %and3A = arith.andi %eq3A_0, %eq3A_2 : i1
    %convert_element_type3A = arith.extui %eq3A_0 : i1 to i32
    %cond3A = arith.constant 0 : i32
    %cond3A_3 = arith.cmpi ne, %convert_element_type3A, %cond3A : i32
    scf.if %cond3A_3 {
      %scan3A = arith.constant 0 : i32
      %scan3A_10 = arith.constant 0 : i32
      %scan3A_11 = arith.constant 3906 : i32
      %scan3A_12 = arith.addi %scan3A_10, %scan3A_11 : i32
      %scan3A_13 = arith.constant 1 : i32
      scf.for %scan3A_16 = %scan3A_10 to %scan3A_12 step %scan3A_13  : i32 {
        %broadcast_in_dim3A = arith.constant 0.000000e+00 : f32
        %broadcast_in_dim3A_17 = vector.broadcast %broadcast_in_dim3A : f32 to vector<16xf32>
        %mul3A_18 = arith.constant 16 : i32
        %mul3A_19 = arith.muli %scan3A_16, %mul3A_18 : i32
        %swap3A = arith.index_cast %mul3A_19 : i32 to index
        %swap3A_20 = tpu.vector_load %arg12[%swap3A] {strides = array<i32>} : memref<62496xf32, #tpu.memory_space<vmem>>, vector<16xf32>,
        tpu.vector_store %arg12[%swap3A], %broadcast_in_dim3A_17 {strides = array<i32>} : memref<62496xf32, #tpu.memory_space<vmem>>, vector<16xf32>,
      }
      %scan3A_14 = arith.constant 3906 : i32
      %mul3A = arith.constant 62496 : i32
      %mul3A_15 = arith.muli %arg1, %mul3A : i32
      "tpu.region"() ({
        %run_scoped3A = tpu.sem_alloc : memref<!tpu.dma_semaphore, #tpu.memory_space<semaphore_mem>>
        %dma_start3A = tpu.memref_slice %arg9[%mul3A_15] : memref<1000000xf32, #tpu.memory_space<hbm>> -> memref<62496xf32, #tpu.memory_space<hbm>>
        %dma_start3A_16 = tpu.memref_slice %arg9[%mul3A_15] : memref<1000000xf32, #tpu.memory_space<hbm>> -> memref<62496xf32, #tpu.memory_space<hbm>>
        tpu.enqueue_dma source(%arg12 : memref<62496xf32, #tpu.memory_space<vmem>>) target(%dma_start3A_16 : memref<62496xf32, #tpu.memory_space<hbm>>) target_semaphore(%run_scoped3A : memref<!tpu.dma_semaphore, #tpu.memory_space<semaphore_mem>>)
        %dma_wait3A = tpu.memref_slice %arg9[%mul3A_15] : memref<1000000xf32, #tpu.memory_space<hbm>> -> memref<62496xf32, #tpu.memory_space<hbm>>
        %dma_wait3A_17 = tpu.memref_slice %arg9[%mul3A_15] : memref<1000000xf32, #tpu.memory_space<hbm>> -> memref<62496xf32, #tpu.memory_space<hbm>>
        tpu.wait_dma2 semaphore(%run_scoped3A : memref<!tpu.dma_semaphore, #tpu.memory_space<semaphore_mem>>) src(%arg12 : memref<62496xf32, #tpu.memory_space<vmem>>) dst(%dma_wait3A_17 : memref<62496xf32, #tpu.memory_space<hbm>>)
        tpu.yield
      }) : () -> ()
    } else {
    }
    %convert_element_type3A_4 = arith.extui %and3A : i1 to i32
    %cond3A_5 = arith.constant 0 : i32
    %cond3A_6 = arith.cmpi ne, %convert_element_type3A_4, %cond3A_5 : i32
    scf.if %cond3A_6 {
      "tpu.region"() ({
        %run_scoped3A = tpu.sem_alloc : memref<!tpu.dma_semaphore, #tpu.memory_space<semaphore_mem>>
        %dma_start3A = arith.constant 0 : i32
        %dma_start3A_10 = tpu.memref_slice %arg12[%dma_start3A] : memref<62496xf32, #tpu.memory_space<vmem>> -> memref<64xf32, #tpu.memory_space<vmem>>
        %dma_start3A_11 = arith.constant 999936 : i32
        %dma_start3A_12 = tpu.memref_slice %arg9[%dma_start3A_11] : memref<1000000xf32, #tpu.memory_space<hbm>> -> memref<64xf32, #tpu.memory_space<hbm>>
        %dma_start3A_13 = arith.constant 999936 : i32
        %dma_start3A_14 = tpu.memref_slice %arg9[%dma_start3A_13] : memref<1000000xf32, #tpu.memory_space<hbm>> -> memref<64xf32, #tpu.memory_space<hbm>>
        %dma_start3A_15 = arith.constant 0 : i32
        %dma_start3A_16 = tpu.memref_slice %arg12[%dma_start3A_15] : memref<62496xf32, #tpu.memory_space<vmem>> -> memref<64xf32, #tpu.memory_space<vmem>>
        tpu.enqueue_dma source(%dma_start3A_16 : memref<64xf32, #tpu.memory_space<vmem>>) target(%dma_start3A_14 : memref<64xf32, #tpu.memory_space<hbm>>) target_semaphore(%run_scoped3A : memref<!tpu.dma_semaphore, #tpu.memory_space<semaphore_mem>>)
        %dma_wait3A = arith.constant 0 : i32
        %dma_wait3A_17 = tpu.memref_slice %arg12[%dma_wait3A] : memref<62496xf32, #tpu.memory_space<vmem>> -> memref<64xf32, #tpu.memory_space<vmem>>
        %dma_wait3A_18 = arith.constant 999936 : i32
        %dma_wait3A_19 = tpu.memref_slice %arg9[%dma_wait3A_18] : memref<1000000xf32, #tpu.memory_space<hbm>> -> memref<64xf32, #tpu.memory_space<hbm>>
        %dma_wait3A_20 = arith.constant 999936 : i32
        %dma_wait3A_21 = tpu.memref_slice %arg9[%dma_wait3A_20] : memref<1000000xf32, #tpu.memory_space<hbm>> -> memref<64xf32, #tpu.memory_space<hbm>>
        %dma_wait3A_22 = arith.constant 0 : i32
        %dma_wait3A_23 = tpu.memref_slice %arg12[%dma_wait3A_22] : memref<62496xf32, #tpu.memory_space<vmem>> -> memref<64xf32, #tpu.memory_space<vmem>>
        tpu.wait_dma2 semaphore(%run_scoped3A : memref<!tpu.dma_semaphore, #tpu.memory_space<semaphore_mem>>) src(%dma_wait3A_23 : memref<64xf32, #tpu.memory_space<vmem>>) dst(%dma_wait3A_21 : memref<64xf32, #tpu.memory_space<hbm>>)
        tpu.yield
      }) : () -> ()
    } else {
    }
    %barrier3A = arith.constant 0 : index
    tpu.barrier barrier_id(%barrier3A)
    %convert_element_type3A_7 = arith.extui %and3A : i1 to i32
    %cond3A_8 = arith.constant 0 : i32
    %cond3A_9 = arith.cmpi ne, %convert_element_type3A_7, %cond3A_8 : i32
    scf.if %cond3A_9 {
      "tpu.region"() ({
        %run_scoped3A = tpu.sem_alloc : memref<!tpu.dma_semaphore, #tpu.memory_space<semaphore_mem>>
        tpu.enqueue_dma source(%arg2 : memref<16x1x64xf32, #tpu.memory_space<hbm>>) target(%arg10 : memref<16x1x64xf32, #tpu.memory_space<vmem>>) target_semaphore(%run_scoped3A : memref<!tpu.dma_semaphore, #tpu.memory_space<semaphore_mem>>)
        tpu.wait_dma2 semaphore(%run_scoped3A : memref<!tpu.dma_semaphore, #tpu.memory_space<semaphore_mem>>) src(%arg2 : memref<16x1x64xf32, #tpu.memory_space<hbm>>) dst(%arg10 : memref<16x1x64xf32, #tpu.memory_space<vmem>>)
        tpu.yield
      }) : () -> ()
      "tpu.region"() ({
        %run_scoped3A = tpu.sem_alloc : memref<!tpu.dma_semaphore, #tpu.memory_space<semaphore_mem>>
        tpu.enqueue_dma source(%arg3 : memref<16x1x64xi32, #tpu.memory_space<hbm>>) target(%arg11 : memref<16x1x64xi32, #tpu.memory_space<vmem>>) target_semaphore(%run_scoped3A : memref<!tpu.dma_semaphore, #tpu.memory_space<semaphore_mem>>)
        tpu.wait_dma2 semaphore(%run_scoped3A : memref<!tpu.dma_semaphore, #tpu.memory_space<semaphore_mem>>) src(%arg3 : memref<16x1x64xi32, #tpu.memory_space<hbm>>) dst(%arg11 : memref<16x1x64xi32, #tpu.memory_space<vmem>>)
        tpu.yield
      }) : () -> ()
      %broadcast_in_dim3A = arith.constant 0x7F800000 : f32
      %broadcast_in_dim3A_10 = vector.broadcast %broadcast_in_dim3A : f32 to vector<16xf32>
      %broadcast_in_dim3A_11 = arith.constant 0 : i32
      %broadcast_in_dim3A_12 = vector.broadcast %broadcast_in_dim3A_11 : i32 to vector<16xi32>
      %iota3A = tpu.iota {dimensions = array<i32: 0>} : vector<16xi32>
      %scan3A = arith.constant 0 : i32
      %scan3A_13 = arith.constant 16 : i32
      %scan3A_14 = arith.addi %scan3A, %scan3A_13 : i32
      %scan3A_15 = arith.constant 1 : i32
      %scan3A_16:8 = scf.for %scan3A_129 = %scan3A to %scan3A_14 step %scan3A_15 iter_args(%scan3A_130 = %broadcast_in_dim3A_10, %scan3A_131 = %broadcast_in_dim3A_12, %scan3A_132 = %broadcast_in_dim3A_10, %scan3A_133 = %broadcast_in_dim3A_12, %scan3A_134 = %broadcast_in_dim3A_10, %scan3A_135 = %broadcast_in_dim3A_12, %scan3A_136 = %broadcast_in_dim3A_10, %scan3A_137 = %broadcast_in_dim3A_12) -> (vector<16xf32>, vector<16xi32>, vector<16xf32>, vector<16xi32>, vector<16xf32>, vector<16xi32>, vector<16xf32>, vector<16xi32>)  : i32 {
        %get3A_138 = arith.constant 0 : i32
        %get3A_139 = arith.index_cast %scan3A_129 : i32 to index
        %get3A_140 = arith.index_cast %get3A_138 : i32 to index
        %get3A_141 = arith.constant 0 : index
        %get3A_142 = tpu.vector_load %arg10[%get3A_139, %get3A_140, %get3A_141] {strides = array<i32>} : memref<16x1x64xf32, #tpu.memory_space<vmem>>, vector<16xf32>,
        %get3A_143 = arith.constant 0 : i32
        %get3A_144 = arith.index_cast %scan3A_129 : i32 to index
        %get3A_145 = arith.index_cast %get3A_143 : i32 to index
        %get3A_146 = arith.constant 0 : index
        %get3A_147 = tpu.vector_load %arg11[%get3A_144, %get3A_145, %get3A_146] {strides = array<i32>} : memref<16x1x64xi32, #tpu.memory_space<vmem>>, vector<16xi32>,
        %lt3A = arith.cmpf olt, %get3A_142, %scan3A_130 : vector<16xf32>
        %select_n3A = arith.select %lt3A, %get3A_142, %scan3A_130 : vector<16xi1>, vector<16xf32>
        %select_n3A_148 = arith.select %lt3A, %get3A_147, %scan3A_131 : vector<16xi1>, vector<16xi32>
        %get3A_149 = arith.constant 0 : i32
        %get3A_150 = arith.index_cast %scan3A_129 : i32 to index
        %get3A_151 = arith.index_cast %get3A_149 : i32 to index
        %get3A_152 = arith.constant 16 : index
        %get3A_153 = tpu.vector_load %arg10[%get3A_150, %get3A_151, %get3A_152] {strides = array<i32>} : memref<16x1x64xf32, #tpu.memory_space<vmem>>, vector<16xf32>,
        %get3A_154 = arith.constant 0 : i32
        %get3A_155 = arith.index_cast %scan3A_129 : i32 to index
        %get3A_156 = arith.index_cast %get3A_154 : i32 to index
        %get3A_157 = arith.constant 16 : index
        %get3A_158 = tpu.vector_load %arg11[%get3A_155, %get3A_156, %get3A_157] {strides = array<i32>} : memref<16x1x64xi32, #tpu.memory_space<vmem>>, vector<16xi32>,
        %lt3A_159 = arith.cmpf olt, %get3A_153, %scan3A_132 : vector<16xf32>
        %select_n3A_160 = arith.select %lt3A_159, %get3A_153, %scan3A_132 : vector<16xi1>, vector<16xf32>
        %select_n3A_161 = arith.select %lt3A_159, %get3A_158, %scan3A_133 : vector<16xi1>, vector<16xi32>
        %get3A_162 = arith.constant 0 : i32
        %get3A_163 = arith.index_cast %scan3A_129 : i32 to index
        %get3A_164 = arith.index_cast %get3A_162 : i32 to index
        %get3A_165 = arith.constant 32 : index
        %get3A_166 = tpu.vector_load %arg10[%get3A_163, %get3A_164, %get3A_165] {strides = array<i32>} : memref<16x1x64xf32, #tpu.memory_space<vmem>>, vector<16xf32>,
        %get3A_167 = arith.constant 0 : i32
        %get3A_168 = arith.index_cast %scan3A_129 : i32 to index
        %get3A_169 = arith.index_cast %get3A_167 : i32 to index
        %get3A_170 = arith.constant 32 : index
        %get3A_171 = tpu.vector_load %arg11[%get3A_168, %get3A_169, %get3A_170] {strides = array<i32>} : memref<16x1x64xi32, #tpu.memory_space<vmem>>, vector<16xi32>,
        %lt3A_172 = arith.cmpf olt, %get3A_166, %scan3A_134 : vector<16xf32>
        %select_n3A_173 = arith.select %lt3A_172, %get3A_166, %scan3A_134 : vector<16xi1>, vector<16xf32>
        %select_n3A_174 = arith.select %lt3A_172, %get3A_171, %scan3A_135 : vector<16xi1>, vector<16xi32>
        %get3A_175 = arith.constant 0 : i32
        %get3A_176 = arith.index_cast %scan3A_129 : i32 to index
        %get3A_177 = arith.index_cast %get3A_175 : i32 to index
        %get3A_178 = arith.constant 48 : index
        %get3A_179 = tpu.vector_load %arg10[%get3A_176, %get3A_177, %get3A_178] {strides = array<i32>} : memref<16x1x64xf32, #tpu.memory_space<vmem>>, vector<16xf32>,
        %get3A_180 = arith.constant 0 : i32
        %get3A_181 = arith.index_cast %scan3A_129 : i32 to index
        %get3A_182 = arith.index_cast %get3A_180 : i32 to index
        %get3A_183 = arith.constant 48 : index
        %get3A_184 = tpu.vector_load %arg11[%get3A_181, %get3A_182, %get3A_183] {strides = array<i32>} : memref<16x1x64xi32, #tpu.memory_space<vmem>>, vector<16xi32>,
        %lt3A_185 = arith.cmpf olt, %get3A_179, %scan3A_136 : vector<16xf32>
        %select_n3A_186 = arith.select %lt3A_185, %get3A_179, %scan3A_136 : vector<16xi1>, vector<16xf32>
        %select_n3A_187 = arith.select %lt3A_185, %get3A_184, %scan3A_137 : vector<16xi1>, vector<16xi32>
        scf.yield %select_n3A, %select_n3A_148, %select_n3A_160, %select_n3A_161, %select_n3A_173, %select_n3A_174, %select_n3A_186, %select_n3A_187 : vector<16xf32>, vector<16xi32>, vector<16xf32>, vector<16xi32>, vector<16xf32>, vector<16xi32>, vector<16xf32>, vector<16xi32>
      }
      %scan3A_17 = arith.constant 16 : i32
      %swap3A = arith.constant 0 : index
      %swap3A_18 = tpu.vector_load %arg13[%swap3A] {strides = array<i32>} : memref<64xi32, #tpu.memory_space<vmem>>, vector<16xi32>,
      tpu.vector_store %arg13[%swap3A], %scan3A_16#1 {strides = array<i32>} : memref<64xi32, #tpu.memory_space<vmem>>, vector<16xi32>,
      %swap3A_19 = arith.constant 16 : index
      %swap3A_20 = tpu.vector_load %arg13[%swap3A_19] {strides = array<i32>} : memref<64xi32, #tpu.memory_space<vmem>>, vector<16xi32>,
      tpu.vector_store %arg13[%swap3A_19], %scan3A_16#3 {strides = array<i32>} : memref<64xi32, #tpu.memory_space<vmem>>, vector<16xi32>,
      %swap3A_21 = arith.constant 32 : index
      %swap3A_22 = tpu.vector_load %arg13[%swap3A_21] {strides = array<i32>} : memref<64xi32, #tpu.memory_space<vmem>>, vector<16xi32>,
      tpu.vector_store %arg13[%swap3A_21], %scan3A_16#5 {strides = array<i32>} : memref<64xi32, #tpu.memory_space<vmem>>, vector<16xi32>,
      %swap3A_23 = arith.constant 48 : index
      %swap3A_24 = tpu.vector_load %arg13[%swap3A_23] {strides = array<i32>} : memref<64xi32, #tpu.memory_space<vmem>>, vector<16xi32>,
      tpu.vector_store %arg13[%swap3A_23], %scan3A_16#7 {strides = array<i32>} : memref<64xi32, #tpu.memory_space<vmem>>, vector<16xi32>,
      "tpu.region"() ({
        %run_scoped3A = tpu.sem_alloc : memref<!tpu.dma_semaphore, #tpu.memory_space<semaphore_mem>>
        tpu.enqueue_dma source(%arg13 : memref<64xi32, #tpu.memory_space<vmem>>) target(%arg7 : memref<64xi32, #tpu.memory_space<hbm>>) target_semaphore(%run_scoped3A : memref<!tpu.dma_semaphore, #tpu.memory_space<semaphore_mem>>)
        tpu.wait_dma2 semaphore(%run_scoped3A : memref<!tpu.dma_semaphore, #tpu.memory_space<semaphore_mem>>) src(%arg13 : memref<64xi32, #tpu.memory_space<vmem>>) dst(%arg7 : memref<64xi32, #tpu.memory_space<hbm>>)
        tpu.yield
      }) : () -> ()
      %mul3A = arith.constant 3 : i32
      %mul3A_25 = vector.broadcast %mul3A : i32 to vector<16xi32>
      %mul3A_26 = arith.muli %iota3A, %mul3A_25 : vector<16xi32>
      %dma_start3A = arith.constant 0 : i32
      %dma_start3A_27 = tpu.memref_slice %arg4[%dma_start3A] : memref<1000000xf32, #tpu.memory_space<hbm>> -> memref<1000000xf32, #tpu.memory_space<hbm>>
      tpu.enqueue_indirect_dma source(%dma_start3A_27 : memref<1000000xf32, #tpu.memory_space<hbm>>) target(%arg14 : memref<64xf32, #tpu.memory_space<vmem>>) offsets(%arg13 : memref<64xi32, #tpu.memory_space<vmem>>) semaphore(%arg18 : memref<!tpu.dma_semaphore, #tpu.memory_space<semaphore_mem>>)
      %dma_wait3A = arith.constant 0 : i32
      %dma_wait3A_28 = tpu.memref_slice %arg4[%dma_wait3A] : memref<1000000xf32, #tpu.memory_space<hbm>> -> memref<1000000xf32, #tpu.memory_space<hbm>>
      tpu.wait_indirect_dma semaphore(%arg18 : memref<!tpu.dma_semaphore, #tpu.memory_space<semaphore_mem>>) src(%dma_wait3A_28 : memref<1000000xf32, #tpu.memory_space<hbm>>) dst(%arg14 : memref<64xf32, #tpu.memory_space<vmem>>)
      %get3A = arith.constant 0 : index
      %get3A_29 = tpu.vector_load %arg14[%get3A] {strides = array<i32>} : memref<64xf32, #tpu.memory_space<vmem>>, vector<16xf32>,
      %add3A = arith.constant 0 : i32
      %add3A_30 = vector.broadcast %add3A : i32 to vector<16xi32>
      %add3A_31 = arith.addi %mul3A_26, %add3A_30 : vector<16xi32>
      tpu.vector_store_idx %arg15[%add3A_31], %get3A_29 : memref<192xf32, #tpu.memory_space<vmem>>[vector<16xi32>], vector<16xf32>,
      %get3A_32 = arith.constant 16 : index
      %get3A_33 = tpu.vector_load %arg14[%get3A_32] {strides = array<i32>} : memref<64xf32, #tpu.memory_space<vmem>>, vector<16xf32>,
      %add3A_34 = arith.constant 48 : i32
      %add3A_35 = vector.broadcast %add3A_34 : i32 to vector<16xi32>
      %add3A_36 = arith.addi %mul3A_26, %add3A_35 : vector<16xi32>
      tpu.vector_store_idx %arg15[%add3A_36], %get3A_33 : memref<192xf32, #tpu.memory_space<vmem>>[vector<16xi32>], vector<16xf32>,
      %get3A_37 = arith.constant 32 : index
      %get3A_38 = tpu.vector_load %arg14[%get3A_37] {strides = array<i32>} : memref<64xf32, #tpu.memory_space<vmem>>, vector<16xf32>,
      %add3A_39 = arith.constant 96 : i32
      %add3A_40 = vector.broadcast %add3A_39 : i32 to vector<16xi32>
      %add3A_41 = arith.addi %mul3A_26, %add3A_40 : vector<16xi32>
      tpu.vector_store_idx %arg15[%add3A_41], %get3A_38 : memref<192xf32, #tpu.memory_space<vmem>>[vector<16xi32>], vector<16xf32>,
      %get3A_42 = arith.constant 48 : index
      %get3A_43 = tpu.vector_load %arg14[%get3A_42] {strides = array<i32>} : memref<64xf32, #tpu.memory_space<vmem>>, vector<16xf32>,
      %add3A_44 = arith.constant 144 : i32
      %add3A_45 = vector.broadcast %add3A_44 : i32 to vector<16xi32>
      %add3A_46 = arith.addi %mul3A_26, %add3A_45 : vector<16xi32>
      tpu.vector_store_idx %arg15[%add3A_46], %get3A_43 : memref<192xf32, #tpu.memory_space<vmem>>[vector<16xi32>], vector<16xf32>,
      %dma_start3A_47 = arith.constant 0 : i32
      %dma_start3A_48 = tpu.memref_slice %arg5[%dma_start3A_47] : memref<1000000xf32, #tpu.memory_space<hbm>> -> memref<1000000xf32, #tpu.memory_space<hbm>>
      tpu.enqueue_indirect_dma source(%dma_start3A_48 : memref<1000000xf32, #tpu.memory_space<hbm>>) target(%arg14 : memref<64xf32, #tpu.memory_space<vmem>>) offsets(%arg13 : memref<64xi32, #tpu.memory_space<vmem>>) semaphore(%arg18 : memref<!tpu.dma_semaphore, #tpu.memory_space<semaphore_mem>>)
      %dma_wait3A_49 = arith.constant 0 : i32
      %dma_wait3A_50 = tpu.memref_slice %arg5[%dma_wait3A_49] : memref<1000000xf32, #tpu.memory_space<hbm>> -> memref<1000000xf32, #tpu.memory_space<hbm>>
      tpu.wait_indirect_dma semaphore(%arg18 : memref<!tpu.dma_semaphore, #tpu.memory_space<semaphore_mem>>) src(%dma_wait3A_50 : memref<1000000xf32, #tpu.memory_space<hbm>>) dst(%arg14 : memref<64xf32, #tpu.memory_space<vmem>>)
      %get3A_51 = arith.constant 0 : index
      %get3A_52 = tpu.vector_load %arg14[%get3A_51] {strides = array<i32>} : memref<64xf32, #tpu.memory_space<vmem>>, vector<16xf32>,
      %add3A_53 = arith.constant 1 : i32
      %add3A_54 = vector.broadcast %add3A_53 : i32 to vector<16xi32>
      %add3A_55 = arith.addi %mul3A_26, %add3A_54 : vector<16xi32>
      tpu.vector_store_idx %arg15[%add3A_55], %get3A_52 : memref<192xf32, #tpu.memory_space<vmem>>[vector<16xi32>], vector<16xf32>,
      %get3A_56 = arith.constant 16 : index
      %get3A_57 = tpu.vector_load %arg14[%get3A_56] {strides = array<i32>} : memref<64xf32, #tpu.memory_space<vmem>>, vector<16xf32>,
      %add3A_58 = arith.constant 49 : i32
      %add3A_59 = vector.broadcast %add3A_58 : i32 to vector<16xi32>
      %add3A_60 = arith.addi %mul3A_26, %add3A_59 : vector<16xi32>
      tpu.vector_store_idx %arg15[%add3A_60], %get3A_57 : memref<192xf32, #tpu.memory_space<vmem>>[vector<16xi32>], vector<16xf32>,
      %get3A_61 = arith.constant 32 : index
      %get3A_62 = tpu.vector_load %arg14[%get3A_61] {strides = array<i32>} : memref<64xf32, #tpu.memory_space<vmem>>, vector<16xf32>,
      %add3A_63 = arith.constant 97 : i32
      %add3A_64 = vector.broadcast %add3A_63 : i32 to vector<16xi32>
      %add3A_65 = arith.addi %mul3A_26, %add3A_64 : vector<16xi32>
      tpu.vector_store_idx %arg15[%add3A_65], %get3A_62 : memref<192xf32, #tpu.memory_space<vmem>>[vector<16xi32>], vector<16xf32>,
      %get3A_66 = arith.constant 48 : index
      %get3A_67 = tpu.vector_load %arg14[%get3A_66] {strides = array<i32>} : memref<64xf32, #tpu.memory_space<vmem>>, vector<16xf32>,
      %add3A_68 = arith.constant 145 : i32
      %add3A_69 = vector.broadcast %add3A_68 : i32 to vector<16xi32>
      %add3A_70 = arith.addi %mul3A_26, %add3A_69 : vector<16xi32>
      tpu.vector_store_idx %arg15[%add3A_70], %get3A_67 : memref<192xf32, #tpu.memory_space<vmem>>[vector<16xi32>], vector<16xf32>,
      %dma_start3A_71 = arith.constant 0 : i32
      %dma_start3A_72 = tpu.memref_slice %arg6[%dma_start3A_71] : memref<1000000xf32, #tpu.memory_space<hbm>> -> memref<1000000xf32, #tpu.memory_space<hbm>>
      tpu.enqueue_indirect_dma source(%dma_start3A_72 : memref<1000000xf32, #tpu.memory_space<hbm>>) target(%arg14 : memref<64xf32, #tpu.memory_space<vmem>>) offsets(%arg13 : memref<64xi32, #tpu.memory_space<vmem>>) semaphore(%arg18 : memref<!tpu.dma_semaphore, #tpu.memory_space<semaphore_mem>>)
      %dma_wait3A_73 = arith.constant 0 : i32
      %dma_wait3A_74 = tpu.memref_slice %arg6[%dma_wait3A_73] : memref<1000000xf32, #tpu.memory_space<hbm>> -> memref<1000000xf32, #tpu.memory_space<hbm>>
      tpu.wait_indirect_dma semaphore(%arg18 : memref<!tpu.dma_semaphore, #tpu.memory_space<semaphore_mem>>) src(%dma_wait3A_74 : memref<1000000xf32, #tpu.memory_space<hbm>>) dst(%arg14 : memref<64xf32, #tpu.memory_space<vmem>>)
      %get3A_75 = arith.constant 0 : index
      %get3A_76 = tpu.vector_load %arg14[%get3A_75] {strides = array<i32>} : memref<64xf32, #tpu.memory_space<vmem>>, vector<16xf32>,
      %add3A_77 = arith.constant 2 : i32
      %add3A_78 = vector.broadcast %add3A_77 : i32 to vector<16xi32>
      %add3A_79 = arith.addi %mul3A_26, %add3A_78 : vector<16xi32>
      tpu.vector_store_idx %arg15[%add3A_79], %get3A_76 : memref<192xf32, #tpu.memory_space<vmem>>[vector<16xi32>], vector<16xf32>,
      %get3A_80 = arith.constant 16 : index
      %get3A_81 = tpu.vector_load %arg14[%get3A_80] {strides = array<i32>} : memref<64xf32, #tpu.memory_space<vmem>>, vector<16xf32>,
      %add3A_82 = arith.constant 50 : i32
      %add3A_83 = vector.broadcast %add3A_82 : i32 to vector<16xi32>
      %add3A_84 = arith.addi %mul3A_26, %add3A_83 : vector<16xi32>
      tpu.vector_store_idx %arg15[%add3A_84], %get3A_81 : memref<192xf32, #tpu.memory_space<vmem>>[vector<16xi32>], vector<16xf32>,
      %get3A_85 = arith.constant 32 : index
      %get3A_86 = tpu.vector_load %arg14[%get3A_85] {strides = array<i32>} : memref<64xf32, #tpu.memory_space<vmem>>, vector<16xf32>,
      %add3A_87 = arith.constant 98 : i32
      %add3A_88 = vector.broadcast %add3A_87 : i32 to vector<16xi32>
      %add3A_89 = arith.addi %mul3A_26, %add3A_88 : vector<16xi32>
      tpu.vector_store_idx %arg15[%add3A_89], %get3A_86 : memref<192xf32, #tpu.memory_space<vmem>>[vector<16xi32>], vector<16xf32>,
      %get3A_90 = arith.constant 48 : index
      %get3A_91 = tpu.vector_load %arg14[%get3A_90] {strides = array<i32>} : memref<64xf32, #tpu.memory_space<vmem>>, vector<16xf32>,
      %add3A_92 = arith.constant 146 : i32
      %add3A_93 = vector.broadcast %add3A_92 : i32 to vector<16xi32>
      %add3A_94 = arith.addi %mul3A_26, %add3A_93 : vector<16xi32>
      tpu.vector_store_idx %arg15[%add3A_94], %get3A_91 : memref<192xf32, #tpu.memory_space<vmem>>[vector<16xi32>], vector<16xf32>,
      "tpu.region"() ({
        %run_scoped3A = tpu.sem_alloc : memref<!tpu.dma_semaphore, #tpu.memory_space<semaphore_mem>>
        tpu.enqueue_dma source(%arg15 : memref<192xf32, #tpu.memory_space<vmem>>) target(%arg8 : memref<192xf32, #tpu.memory_space<hbm>>) target_semaphore(%run_scoped3A : memref<!tpu.dma_semaphore, #tpu.memory_space<semaphore_mem>>)
        tpu.wait_dma2 semaphore(%run_scoped3A : memref<!tpu.dma_semaphore, #tpu.memory_space<semaphore_mem>>) src(%arg15 : memref<192xf32, #tpu.memory_space<vmem>>) dst(%arg8 : memref<192xf32, #tpu.memory_space<hbm>>)
        tpu.yield
      }) : () -> ()
      %swap3A_95 = arith.constant 0 : index
      %swap3A_96 = tpu.vector_load %arg16[%swap3A_95] {strides = array<i32>} : memref<80xi32, #tpu.memory_space<vmem>>, vector<16xi32>,
      tpu.vector_store %arg16[%swap3A_95], %scan3A_16#1 {strides = array<i32>} : memref<80xi32, #tpu.memory_space<vmem>>, vector<16xi32>,
      %swap3A_97 = arith.constant 16 : index
      %swap3A_98 = tpu.vector_load %arg16[%swap3A_97] {strides = array<i32>} : memref<80xi32, #tpu.memory_space<vmem>>, vector<16xi32>,
      tpu.vector_store %arg16[%swap3A_97], %scan3A_16#3 {strides = array<i32>} : memref<80xi32, #tpu.memory_space<vmem>>, vector<16xi32>,
      %swap3A_99 = arith.constant 32 : index
      %swap3A_100 = tpu.vector_load %arg16[%swap3A_99] {strides = array<i32>} : memref<80xi32, #tpu.memory_space<vmem>>, vector<16xi32>,
      tpu.vector_store %arg16[%swap3A_99], %scan3A_16#5 {strides = array<i32>} : memref<80xi32, #tpu.memory_space<vmem>>, vector<16xi32>,
      %swap3A_101 = arith.constant 48 : index
      %swap3A_102 = tpu.vector_load %arg16[%swap3A_101] {strides = array<i32>} : memref<80xi32, #tpu.memory_space<vmem>>, vector<16xi32>,
      tpu.vector_store %arg16[%swap3A_101], %scan3A_16#7 {strides = array<i32>} : memref<80xi32, #tpu.memory_space<vmem>>, vector<16xi32>,
      %swap3A_103 = arith.constant 64 : index
      %swap3A_104 = tpu.vector_load %arg16[%swap3A_103] {strides = array<i32>} : memref<80xi32, #tpu.memory_space<vmem>>, vector<16xi32>,
      tpu.vector_store %arg16[%swap3A_103], %broadcast_in_dim3A_12 {strides = array<i32>} : memref<80xi32, #tpu.memory_space<vmem>>, vector<16xi32>,
      %broadcast_in_dim3A_105 = arith.constant 1.000000e+00 : f32
      %broadcast_in_dim3A_106 = vector.broadcast %broadcast_in_dim3A_105 : f32 to vector<16xf32>
      %swap3A_107 = arith.constant 0 : index
      %swap3A_108 = tpu.vector_load %arg17[%swap3A_107] {strides = array<i32>} : memref<80xf32, #tpu.memory_space<vmem>>, vector<16xf32>,
      tpu.vector_store %arg17[%swap3A_107], %broadcast_in_dim3A_106 {strides = array<i32>} : memref<80xf32, #tpu.memory_space<vmem>>, vector<16xf32>,
      %broadcast_in_dim3A_109 = arith.constant 1.000000e+00 : f32
      %broadcast_in_dim3A_110 = vector.broadcast %broadcast_in_dim3A_109 : f32 to vector<16xf32>
      %swap3A_111 = arith.constant 16 : index
      %swap3A_112 = tpu.vector_load %arg17[%swap3A_111] {strides = array<i32>} : memref<80xf32, #tpu.memory_space<vmem>>, vector<16xf32>,
      tpu.vector_store %arg17[%swap3A_111], %broadcast_in_dim3A_110 {strides = array<i32>} : memref<80xf32, #tpu.memory_space<vmem>>, vector<16xf32>,
      %broadcast_in_dim3A_113 = arith.constant 1.000000e+00 : f32
      %broadcast_in_dim3A_114 = vector.broadcast %broadcast_in_dim3A_113 : f32 to vector<16xf32>
      %swap3A_115 = arith.constant 32 : index
      %swap3A_116 = tpu.vector_load %arg17[%swap3A_115] {strides = array<i32>} : memref<80xf32, #tpu.memory_space<vmem>>, vector<16xf32>,
      tpu.vector_store %arg17[%swap3A_115], %broadcast_in_dim3A_114 {strides = array<i32>} : memref<80xf32, #tpu.memory_space<vmem>>, vector<16xf32>,
      %broadcast_in_dim3A_117 = arith.constant 1.000000e+00 : f32
      %broadcast_in_dim3A_118 = vector.broadcast %broadcast_in_dim3A_117 : f32 to vector<16xf32>
      %swap3A_119 = arith.constant 48 : index
      %swap3A_120 = tpu.vector_load %arg17[%swap3A_119] {strides = array<i32>} : memref<80xf32, #tpu.memory_space<vmem>>, vector<16xf32>,
      tpu.vector_store %arg17[%swap3A_119], %broadcast_in_dim3A_118 {strides = array<i32>} : memref<80xf32, #tpu.memory_space<vmem>>, vector<16xf32>,
      %broadcast_in_dim3A_121 = arith.constant 1.000000e+00 : f32
      %broadcast_in_dim3A_122 = vector.broadcast %broadcast_in_dim3A_121 : f32 to vector<16xf32>
      %swap3A_123 = arith.constant 64 : index
      %swap3A_124 = tpu.vector_load %arg17[%swap3A_123] {strides = array<i32>} : memref<80xf32, #tpu.memory_space<vmem>>, vector<16xf32>,
      tpu.vector_store %arg17[%swap3A_123], %broadcast_in_dim3A_122 {strides = array<i32>} : memref<80xf32, #tpu.memory_space<vmem>>, vector<16xf32>,
      %dma_start3A_125 = arith.constant 0 : i32
      %dma_start3A_126 = tpu.memref_slice %arg9[%dma_start3A_125] : memref<1000000xf32, #tpu.memory_space<hbm>> -> memref<1000000xf32, #tpu.memory_space<hbm>>
      tpu.enqueue_indirect_dma source(%arg17 : memref<80xf32, #tpu.memory_space<vmem>>) target(%dma_start3A_126 : memref<1000000xf32, #tpu.memory_space<hbm>>) offsets(%arg16 : memref<80xi32, #tpu.memory_space<vmem>>) semaphore(%arg18 : memref<!tpu.dma_semaphore, #tpu.memory_space<semaphore_mem>>)
      %dma_wait3A_127 = arith.constant 0 : i32
      %dma_wait3A_128 = tpu.memref_slice %arg9[%dma_wait3A_127] : memref<1000000xf32, #tpu.memory_space<hbm>> -> memref<1000000xf32, #tpu.memory_space<hbm>>
      tpu.wait_indirect_dma semaphore(%arg18 : memref<!tpu.dma_semaphore, #tpu.memory_space<semaphore_mem>>) src(%arg17 : memref<80xf32, #tpu.memory_space<vmem>>) dst(%dma_wait3A_128 : memref<1000000xf32, #tpu.memory_space<hbm>>)
    } else {
    }
    return
  }
}

module attributes {stable_mosaic.version = 14 : i64} {
  func.func @_scan_body(%arg0: i32, %arg1: memref<65536xf32, #tpu.memory_space<vmem>>, %arg2: memref<65536xf32, #tpu.memory_space<vmem>>, %arg3: memref<65536xf32, #tpu.memory_space<vmem>>, %arg4: memref<64x1xf32, #tpu.memory_space<vmem>>, %arg5: memref<64x1xf32, #tpu.memory_space<vmem>>, %arg6: memref<64x1xf32, #tpu.memory_space<vmem>>, %arg7: memref<1x1x64xf32, #tpu.memory_space<vmem>>, %arg8: memref<1x1x64xi32, #tpu.memory_space<vmem>>) attributes {dimension_semantics = [#tpu.dimension_semantics<arbitrary>], iteration_bounds = array<i64: 16>, scalar_prefetch = 0 : i64, scratch_operands = 0 : i64, tpu.core_type = #tpu.core_type<tc>, window_params = [{transform_indices = @transform_0, window_bounds = array<i64: 65536>}, {transform_indices = @transform_1, window_bounds = array<i64: 65536>}, {transform_indices = @transform_2, window_bounds = array<i64: 65536>}, {pipeline_mode = #tpu.pipeline_mode<synchronous>, transform_indices = @transform_3, window_bounds = array<i64: 64, 1>}, {pipeline_mode = #tpu.pipeline_mode<synchronous>, transform_indices = @transform_4, window_bounds = array<i64: 64, 1>}, {pipeline_mode = #tpu.pipeline_mode<synchronous>, transform_indices = @transform_5, window_bounds = array<i64: 64, 1>}, {transform_indices = @transform_6, window_bounds = array<i64: 1, 1, 64>}, {transform_indices = @transform_7, window_bounds = array<i64: 1, 1, 64>}]} {
    %mul3A = arith.constant 65536 : i32
    %mul3A_0 = arith.muli %arg0, %mul3A : i32
    %sub3A = arith.constant 1000000 : i32
    %sub3A_1 = arith.subi %sub3A, %mul3A_0 : i32
    %iota3A = tpu.iota {dimensions = array<i32: 1>} : vector<1x65536xi32>
    %lt3A = vector.broadcast %sub3A_1 : i32 to vector<1x65536xi32>
    %lt3A_2 = arith.cmpi slt, %iota3A, %lt3A : vector<1x65536xi32>
    %get3A = arith.constant 0 : index
    %get3A_3 = vector.load %arg1[%get3A] : memref<65536xf32, #tpu.memory_space<vmem>>, vector<65536xf32>
    %reshape3A = vector.shape_cast %get3A_3 : vector<65536xf32> to vector<1x65536xf32>
    %jit3A = arith.constant 1.000000e+09 : f32
    %broadcast_in_dim3A = vector.broadcast %jit3A : f32 to vector<1x65536xf32>
    %select_n3A = arith.select %lt3A_2, %reshape3A, %broadcast_in_dim3A : vector<1x65536xi1>, vector<1x65536xf32>
    %get3A_4 = arith.constant 0 : index
    %get3A_5 = vector.load %arg2[%get3A_4] : memref<65536xf32, #tpu.memory_space<vmem>>, vector<65536xf32>
    %reshape3A_6 = vector.shape_cast %get3A_5 : vector<65536xf32> to vector<1x65536xf32>
    %jit3A_7 = arith.constant 1.000000e+09 : f32
    %broadcast_in_dim3A_8 = vector.broadcast %jit3A_7 : f32 to vector<1x65536xf32>
    %select_n3A_9 = arith.select %lt3A_2, %reshape3A_6, %broadcast_in_dim3A_8 : vector<1x65536xi1>, vector<1x65536xf32>
    %get3A_10 = arith.constant 0 : index
    %get3A_11 = vector.load %arg3[%get3A_10] : memref<65536xf32, #tpu.memory_space<vmem>>, vector<65536xf32>
    %reshape3A_12 = vector.shape_cast %get3A_11 : vector<65536xf32> to vector<1x65536xf32>
    %jit3A_13 = arith.constant 1.000000e+09 : f32
    %broadcast_in_dim3A_14 = vector.broadcast %jit3A_13 : f32 to vector<1x65536xf32>
    %select_n3A_15 = arith.select %lt3A_2, %reshape3A_12, %broadcast_in_dim3A_14 : vector<1x65536xi1>, vector<1x65536xf32>
    %get3A_16 = arith.constant 0 : index
    %get3A_17 = arith.constant 0 : index
    %get3A_18 = vector.load %arg4[%get3A_16, %get3A_17] : memref<64x1xf32, #tpu.memory_space<vmem>>, vector<64x1xf32>
    %sub3A_19 = vector.broadcast %select_n3A : vector<1x65536xf32> to vector<64x65536xf32>
    %sub3A_20 = vector.broadcast %get3A_18 : vector<64x1xf32> to vector<64x65536xf32>
    %sub3A_21 = arith.subf %sub3A_19, %sub3A_20 : vector<64x65536xf32>
    %get3A_22 = arith.constant 0 : index
    %get3A_23 = arith.constant 0 : index
    %get3A_24 = vector.load %arg5[%get3A_22, %get3A_23] : memref<64x1xf32, #tpu.memory_space<vmem>>, vector<64x1xf32>
    %sub3A_25 = vector.broadcast %select_n3A_9 : vector<1x65536xf32> to vector<64x65536xf32>
    %sub3A_26 = vector.broadcast %get3A_24 : vector<64x1xf32> to vector<64x65536xf32>
    %sub3A_27 = arith.subf %sub3A_25, %sub3A_26 : vector<64x65536xf32>
    %get3A_28 = arith.constant 0 : index
    %get3A_29 = arith.constant 0 : index
    %get3A_30 = vector.load %arg6[%get3A_28, %get3A_29] : memref<64x1xf32, #tpu.memory_space<vmem>>, vector<64x1xf32>
    %sub3A_31 = vector.broadcast %select_n3A_15 : vector<1x65536xf32> to vector<64x65536xf32>
    %sub3A_32 = vector.broadcast %get3A_30 : vector<64x1xf32> to vector<64x65536xf32>
    %sub3A_33 = arith.subf %sub3A_31, %sub3A_32 : vector<64x65536xf32>
    %mul3A_34 = arith.mulf %sub3A_21, %sub3A_21 : vector<64x65536xf32>
    %mul3A_35 = arith.mulf %sub3A_27, %sub3A_27 : vector<64x65536xf32>
    %add3A = arith.addf %mul3A_34, %mul3A_35 : vector<64x65536xf32>
    %mul3A_36 = arith.mulf %sub3A_33, %sub3A_33 : vector<64x65536xf32>
    %add3A_37 = arith.addf %add3A, %mul3A_36 : vector<64x65536xf32>
    %reduce_min3A = arith.constant dense<0x7F800000> : vector<64xf32>
    %reduce_min3A_38 = vector.multi_reduction <minimumf>, %add3A_37, %reduce_min3A [1] : vector<64x65536xf32> to vector<64xf32>
    %iota3A_39 = tpu.iota {dimensions = array<i32: 1>} : vector<64x65536xi32>
    %broadcast_in_dim3A_40 = vector.shape_cast %reduce_min3A_38 : vector<64xf32> to vector<64x1xf32>
    %eq3A = vector.broadcast %broadcast_in_dim3A_40 : vector<64x1xf32> to vector<64x65536xf32>
    %eq3A_41 = arith.cmpf oeq, %add3A_37, %eq3A : vector<64x65536xf32>
    %jit3A_42 = arith.constant 2147483647 : i32
    %broadcast_in_dim3A_43 = vector.broadcast %jit3A_42 : i32 to vector<64x65536xi32>
    %select_n3A_44 = arith.select %eq3A_41, %iota3A_39, %broadcast_in_dim3A_43 : vector<64x65536xi1>, vector<64x65536xi32>
    %reduce_min3A_45 = arith.constant dense<2147483647> : vector<64xi32>
    %reduce_min3A_46 = vector.multi_reduction <minsi>, %select_n3A_44, %reduce_min3A_45 [1] : vector<64x65536xi32> to vector<64xi32>
    %reshape3A_47 = vector.shape_cast %reduce_min3A_38 : vector<64xf32> to vector<1x1x64xf32>
    %swap3A = arith.constant 0 : index
    %swap3A_48 = arith.constant 0 : index
    %swap3A_49 = arith.constant 0 : index
    %swap3A_50 = vector.load %arg7[%swap3A, %swap3A_48, %swap3A_49] : memref<1x1x64xf32, #tpu.memory_space<vmem>>, vector<1x1x64xf32>
    tpu.vector_store %arg7[%swap3A, %swap3A_48, %swap3A_49], %reshape3A_47 {strides = array<i32>} : memref<1x1x64xf32, #tpu.memory_space<vmem>>, vector<1x1x64xf32>,
    %mul3A_51 = arith.constant 65536 : i32
    %mul3A_52 = arith.muli %arg0, %mul3A_51 : i32
    %add3A_53 = vector.broadcast %mul3A_52 : i32 to vector<64xi32>
    %add3A_54 = arith.addi %reduce_min3A_46, %add3A_53 : vector<64xi32>
    %reshape3A_55 = vector.shape_cast %add3A_54 : vector<64xi32> to vector<1x1x64xi32>
    %swap3A_56 = arith.constant 0 : index
    %swap3A_57 = arith.constant 0 : index
    %swap3A_58 = arith.constant 0 : index
    %swap3A_59 = vector.load %arg8[%swap3A_56, %swap3A_57, %swap3A_58] : memref<1x1x64xi32, #tpu.memory_space<vmem>>, vector<1x1x64xi32>
    tpu.vector_store %arg8[%swap3A_56, %swap3A_57, %swap3A_58], %reshape3A_55 {strides = array<i32>} : memref<1x1x64xi32, #tpu.memory_space<vmem>>, vector<1x1x64xi32>,
    return
  }
  func.func @transform_0(%arg0: i32) -> i32 {
    %c0_i32 = arith.constant 0 : i32
    return %arg0 : i32
  }
  func.func @transform_1(%arg0: i32) -> i32 {
    %c0_i32 = arith.constant 0 : i32
    return %arg0 : i32
  }
  func.func @transform_2(%arg0: i32) -> i32 {
    %c0_i32 = arith.constant 0 : i32
    return %arg0 : i32
  }
  func.func @transform_3(%arg0: i32) -> (i32, i32) {
    %c0_i32 = arith.constant 0 : i32
    %c0_i32_0 = arith.constant 0 : i32
    %c0_i32_1 = arith.constant 0 : i32
    return %c0_i32, %c0_i32_0 : i32, i32
  }
  func.func @transform_4(%arg0: i32) -> (i32, i32) {
    %c0_i32 = arith.constant 0 : i32
    %c0_i32_0 = arith.constant 0 : i32
    %c0_i32_1 = arith.constant 0 : i32
    return %c0_i32, %c0_i32_0 : i32, i32
  }
  func.func @transform_5(%arg0: i32) -> (i32, i32) {
    %c0_i32 = arith.constant 0 : i32
    %c0_i32_0 = arith.constant 0 : i32
    %c0_i32_1 = arith.constant 0 : i32
    return %c0_i32, %c0_i32_0 : i32, i32
  }
  func.func @transform_6(%arg0: i32) -> (i32, i32, i32) {
    %c0_i32 = arith.constant 0 : i32
    %c0_i32_0 = arith.constant 0 : i32
    %c0_i32_1 = arith.constant 0 : i32
    return %arg0, %c0_i32, %c0_i32_0 : i32, i32, i32
  }
  func.func @transform_7(%arg0: i32) -> (i32, i32, i32) {
    %c0_i32 = arith.constant 0 : i32
    %c0_i32_0 = arith.constant 0 : i32
    %c0_i32_1 = arith.constant 0 : i32
    return %arg0, %c0_i32, %c0_i32_0 : i32, i32, i32
  }
}

</mosaic_0001>

<sc_bundles>
// kernel: kernel.4.cloned.1.call-start
scs
__scs_entry_jumppad:
0x0: {  	(pc) =	sbr.rel $0x88, $3  }
0x1: {  	(tag) =	ssettag $0x0;
	lr =	simm.s32 $0x1  }
0x2: {  	[smem:$0x3F9F] =	sst lr;
	_ =	strace $0xD0000000  }
0x3: {  	_ = 	snop  }
0x4: {  	_ = 	snop  }
0x5: {  	_ = 	snop  }
0x6: {  	_ = 	snop  }
0x7: {  	_ = 	snop  }
__scs_overlays_trampoline_lowered:
0x8: {  	[smem:$0x3FAE] =	sst s0  }
0x9: {  	[smem:$0x3FAF] =	sst s1  }
0xa: {  	[smem:$0x3FB0] =	sst s2  }
0xb: {  	[smem:$0x3FB1] =	sst s3  }
0xc: {  	[smem:$0x3FB2] =	sst s4  }
0xd: {  	[smem:$0x3FB3] =	sst s5  }
0xe: {  	[smem:$0x3FB4] =	sst s6  }
0xf: {  	[smem:$0x3FB5] =	sst s7  }
0x10: {  	[smem:$0x3FB6] =	sst s8  }
0x11: {  	[smem:$0x3FB7] =	sst s9;
	s0 =	simm.s32 @!p0 $0x0  }
0x12: {  	s1 =	sld [smem:$0x3F9D];
	s0 =	simm.s32 @p0 $0x1  }
0x13: {  	[smem:$0x3FB8] =	sst s0;
	s0 =	simm.s32 @!p1 $0x0  }
0x14: {  	s2 =	sld [smem:$0x3F9C];
	s0 =	simm.s32 @p1 $0x1  }
0x15: {  	[smem:$0x3FB9] =	sst s0;
	s0 =	simm.s32 @!p2 $0x0  }
0x16: {  	s3 =	sld [smem:$0x3FDB];
	s0 =	simm.s32 @p2 $0x1  }
0x17: {  	s4 =	simm.s32 $0x1BF5;
	[smem:$0x3FBB] =	sst s0  }
0x18: {  	s0 =	sld [smem:$0x3F9E];
	_ =	swait.ge [sflag:s4], $0x0  }
0x19: {  	s7 =	sld [smem:$0x3F9F]  }
0x1a: {  	s8 =	sadd.s32 $0xFFFFE003, lr  }
0x1b: {  	s9 =	sadd.s32 $0xFFFFFEF7, lr;
	s5 =	simm.s32 $0xFFFFFFFF;
	p2 =	slt.u32 s8, $0xFFFFF086  }
0x1c: {  	p1 =	slt.u32 s9, $0xF7A;
	s5 =	simm.s32 @!p2 $0x0  }
0x1d: {  	s5 =	simm.s32 @p1 $0x1;
	p0 =	seq.s32 s7, s2  }
0x1e: {  	s7 =	smul.u32 @!p0 $0xF7A, s2;
	p2 =	seq.s32 @!p0 s5, $0x0  }
0x1f: {  	s9 =	smul.u32 $0xF7A, s1;
	s8 =	simm.s32 @!p0 $0x1BF5;
	p2 =	por !p2, p0  }
0x20: {  	[sflag:s8] =	ssyncset.s32 @!p0 $0xFFFFF086;
	s6 =	sadd.s32 @!p0 s3, s7;
	s7 =	simm.s32 @!p0 $0x108  }
0x21: {  	s3 =	sadd.s32 s3, s9;
	s6 =	sadd.s32 @!p0 $0x88, s6;
	s7 =	simm.s32 @p2 $0x1082  }
0x22: {  	[simem:s7], [sflag:s8] =	dma.local @!p0 [hbm:s6], $0xF7A  }
0x23: {  	s9 =	sor.u32 $0xD0000000, s2;
	s6 =	simm.s32 $0x108;
	_ =	swait.ge @!p0 [sflag:s8], $0x0  }
0x24: {  	s3 =	sadd.s32 $0x88, s3;
	s6 =	simm.s32 @!p1 $0x1082;
	[sflag:s4] =	ssyncset.s32 $0xFFFFF086  }
0x25: {  	[simem:s6], [sflag:s4] =	dma.local [hbm:s3], $0xF7A  }
0x26: {  	[smem:$0x3F9F] =	sst s1;
	(tag) =	ssettag s2;
	_ =	strace s9  }
0x27: {  	s1 =	sld [smem:$0x3FAF]  }
0x28: {  	s2 =	sld [smem:$0x3FB0]  }
0x29: {  	s4 =	sld [smem:$0x3FB2]  }
0x2a: {  	p0 =	seq.s32 s5, $0x0;
	s5 =	sld [smem:$0x3FB3]  }
0x2b: {  	s6 =	sld [smem:$0x3FB4]  }
0x2c: {  	s7 =	sld [smem:$0x3FB5]  }
0x2d: {  	s3 =	simm.s32 $0x108;
	s8 =	sld [smem:$0x3FB6]  }
0x2e: {  	s3 =	simm.s32 @!p0 $0x1082;
	s9 =	sld [smem:$0x3FB7]  }
0x2f: {  	lr =	sadd.s32 s0, s3;
	s0 =	sld [smem:$0x3FAE]  }
0x30: {  	s3 =	sld [smem:$0x3FB1]  }
0x31: {  	[smem:$0x3FBA] =	sst s10  }
0x32: {  	s10 =	sld [smem:$0x3FB8];
	_ =	sdelay $0x3  }
0x33: {  	p0 =	seq.s32 s10, $0x1;
	s10 =	sld [smem:$0x3FBA];
	_ =	sdelay $0x3  }
0x34: {  	[smem:$0x3FBA] =	sst s10  }
0x35: {  	s10 =	sld [smem:$0x3FB9];
	_ =	sdelay $0x3  }
0x36: {  	p1 =	seq.s32 s10, $0x1;
	s10 =	sld [smem:$0x3FBA];
	_ =	sdelay $0x3  }
0x37: {  	[smem:$0x3FBA] =	sst s10  }
0x38: {  	s10 =	sld [smem:$0x3FBB]  }
0x39: {  	_ = 	snop;
	(pc) =	sbr.ind lr, $3  }
0x3a: {  	_ = 	snop  }
0x3b: {  	_ = 	snop  }
0x3c: {  	p2 =	seq.s32 s10, $0x1;
	s10 =	sld [smem:$0x3FBA]  }
0x3d: {  	_ =	shalt  }
0x3e: {  	_ =	shalt  }
0x3f: {  	_ =	shalt  }
0x40: {  	_ =	shalt  }
0x41: {  	_ =	shalt  }
0x42: {  	_ =	shalt  }
0x43: {  	_ =	shalt  }
0x44: {  	_ =	shalt  }
0x45: {  	_ =	shalt  }
0x46: {  	_ =	shalt  }
0x47: {  	_ =	shalt  }
0x48: {  	_ =	shalt  }
0x49: {  	_ =	shalt  }
0x4a: {  	_ =	shalt  }
0x4b: {  	_ =	shalt  }
0x4c: {  	_ =	shalt  }
0x4d: {  	_ =	shalt  }
0x4e: {  	_ =	shalt  }
0x4f: {  	_ =	shalt  }
0x50: {  	_ =	shalt  }
0x51: {  	_ =	shalt  }
0x52: {  	_ =	shalt  }
0x53: {  	_ =	shalt  }
0x54: {  	_ =	shalt  }
0x55: {  	_ =	shalt  }
0x56: {  	_ =	shalt  }
0x57: {  	_ =	shalt  }
0x58: {  	_ =	shalt  }
0x59: {  	_ =	shalt  }
0x5a: {  	_ =	shalt  }
0x5b: {  	_ =	shalt  }
0x5c: {  	_ =	shalt  }
0x5d: {  	_ =	shalt  }
0x5e: {  	_ =	shalt  }
0x5f: {  	_ =	shalt  }
0x60: {  	_ =	shalt  }
0x61: {  	_ =	shalt  }
0x62: {  	_ =	shalt  }
0x63: {  	_ =	shalt  }
0x64: {  	_ =	shalt  }
0x65: {  	_ =	shalt  }
0x66: {  	_ =	shalt  }
0x67: {  	_ =	shalt  }
0x68: {  	_ =	shalt  }
0x69: {  	_ =	shalt  }
0x6a: {  	_ =	shalt  }
0x6b: {  	_ =	shalt  }
0x6c: {  	_ =	shalt  }
0x6d: {  	_ =	shalt  }
0x6e: {  	_ =	shalt  }
0x6f: {  	_ =	shalt  }
0x70: {  	_ =	shalt  }
0x71: {  	_ =	shalt  }
0x72: {  	_ =	shalt  }
0x73: {  	_ =	shalt  }
0x74: {  	_ =	shalt  }
0x75: {  	_ =	shalt  }
0x76: {  	_ =	shalt  }
0x77: {  	_ =	shalt  }
0x78: {  	_ =	shalt  }
0x79: {  	_ =	shalt  }
0x7a: {  	_ =	shalt  }
0x7b: {  	_ =	shalt  }
0x7c: {  	_ =	shalt  }
0x7d: {  	_ =	shalt  }
0x7e: {  	_ =	shalt  }
0x7f: {  	_ =	shalt  }
0x80: {  	_ =	shalt  }
0x81: {  	_ =	shalt  }
0x82: {  	_ =	shalt  }
0x83: {  	_ =	shalt  }
0x84: {  	_ =	shalt  }
0x85: {  	_ =	shalt  }
0x86: {  	_ =	shalt  }
0x87: {  	_ =	shalt  }
.Lfunc_end0:
.L_simem_size_0:
called_computation_lowered:
.L_overlay_start_0:
0x88: {  	s2 =	sld [smem:$0x3FD9]  }
0x89: {  	s3 =	sld [smem:$0x3FFE];
	_ =	sdelay $0x1  }
0x8a: {  	s1 =	srdreg.scid  }
0x8b: {  	s0 =	sand.u32 $0x1, s1  }
0x8c: {  	s14 =	sshll.u32 s0, $0xA;
	s2 =	sadd.s32 s3, s2  }
0x8d: {  	s2 =	sadd.s32 s2, s14  }
0x8e: {  	[smem:$0x3FC6] =	sst s2  }
0x8f: {  	_ = 	snop  }
0x90: {  	s2 =	sld [smem:$0x3FD0];
	_ =	sdelay $0x2  }
0x91: {  	s15 =	simm.s32 $0xA;
	s4 =	simm.s32 $0x10  }
0x92: {  	[smem:s4], [sflag:s15] =	dma.local [hbm:s2], $0x1  }
0x93: {  	_ =	swait.eq [sflag:s15], $0x1  }
0x94: {  	s16 =	sld [smem:$0x10];
	[sflag:s15] =	ssyncset.done $0x0  }
0x95: {  	s17 =	sld [smem:$0x11];
	[sflag:s15] =	ssyncadd.s32 $0xFFFFFFFF  }
0x96: {  	s18 =	sld [smem:$0x12];
	(tm) =	ssettm $0x1  }
0x97: {  	s5 =	sld [smem:$0x3FFB];
	_ =	sdelay $0x3  }
0x98: {  	_ =	strace s5  }
0x99: {  	s5 =	sld [smem:$0x3FFC];
	_ =	sdelay $0x3  }
0x9a: {  	_ =	strace s5  }
0x9b: {  	s5 =	sld [smem:$0x3FFD];
	_ =	sdelay $0x3  }
0x9c: {  	_ =	strace s5  }
0x9d: {  	_ =	strace $0x8FFFFFFF  }
0x9e: {  	s19 =	sld [smem:$0x3FDB];
	_ =	sdelay $0x1  }
0x9f: {  	s6 =	simm.s32 $_scs_section_size  }
0xa0: {  	s7 =	simm.s32 $_size__tile_overlayer_lowered;
	s8 =	simm.s32 $_tile_overlayer_lowered  }
0xa1: {  	s22 =	simm.s32 $0x1BFF;
	s21 =	sshll.u32 s8, $0x1;
	s5 =	sadd.s32 s6, s19  }
0xa2: {  	s9 =	simm.s32 $0x0;
	s20 =	sshll.u32 s7, $0x1;
	s7 =	sadd.s32 s21, s5  }
0xa3: {  	[timem:s9], [sflag:s22] =	dma.local [hbm:s7], s20  }
0xa4: {  	_ =	swait.ge [sflag:s22], s20  }
0xa5: {  	s6 =	ssub.s32 $0x0, s20;
	[sflag:s22] =	ssyncset.done $0x0  }
0xa6: {  	[sflag:s22] =	ssyncadd.s32 s6;
	_ =	sdelay $0x1  }
0xa7: {  	s23 =	simm.s32 $0x1B8B  }
0xa8: {  	_ =	swait.ge [sflag:s23], $0x1  }
0xa9: {  	[sflag:s23] =	ssyncset.done $0x0  }
0xaa: {  	s25 =	simm.s32 $0x1B8E;
	s24 =	sld [smem:$0x3FFE];
	[sflag:s23] =	ssyncadd.s32 $0xFFFFFFFF  }
0xab: {  	s26 =	simm.s32 $execute0_lowered;
	[smem:$0x3FD2] =	sst s25  }
0xac: {  	s7 =	sshll.u32 s26, $0x1;
	_ =	strace $0x80000046;
	[dreg:$0x1] =	wrdreg $0xFFFFFFFF  }
0xad: {  	s28 =	simm.s32 $_size_execute0_lowered;
	s5 =	sadd.s32 s5, s7;
	[dreg:$0x0] =	wrdreg $0x0  }
0xae: {  	s7 =	sshll.u32 s28, $0x1;
	[dreg:$0x2] =	wrdreg s5  }
0xaf: {  	[dreg:$0x3] =	wrdreg s7  }
0xb0: {  	[dreg:$0x4] =	wrdreg $0xC0  }
0xb1: {  	_ =	task [dreg:s9], $0x5FFFF  }
0xb2: {  	[dreg:$0x1] =	wrdreg $0xFFFFFFFF  }
0xb3: {  	[dreg:$0x0] =	wrdreg $0x60  }
0xb4: {  	[dreg:$0x2] =	wrdreg s24  }
0xb5: {  	[dreg:$0x3] =	wrdreg s16  }
0xb6: {  	[dreg:$0x4] =	wrdreg s18  }
0xb7: {  	[dreg:$0x5] =	wrdreg s17  }
0xb8: {  	[dreg:$0x6] =	wrdreg $0x9  }
0xb9: {  	_ =	task.clear_ibuf [dreg:s9], $0x7FFFF;
	_ =	strace $0x90000046  }
0xba: {  	s29 =	simm.s32 $0x9;
	_ =	strace $0x80000048  }
0xbb: {  	_ =	swait.ge [sflag:s29], $0x1  }
0xbc: {  	[sflag:s29] =	ssyncadd.s32 $0xFFFFFFFF  }
0xbd: {  	_ =	strace $0x90000048  }
0xbe: {  	_ =	sfence  }
0xbf: {  	s30 =	sld [smem:$0x0];
	_ =	sdelay $0x2  }
0xc0: {  	s31 =	sshll.u32 s1, $0xD;
	s1 =	sshrl.u32 s1, $0x2  }
0xc1: {  	s3 =	sand.u32 $0x4000, s31;
	s1 =	sadd.s32 s1, s30  }
0xc2: {  	s0 =	sor.u32 s3, s0;
	s1 =	sshll.u32 s1, $0x11  }
0xc3: {  	s0 =	sor.u32 s1, s0  }
0xc4: {  	s0 =	sadd.s32 $0x8F2B, s0  }
0xc5: {  	[sflag:s0] =	ssyncadd.remote.s32 $0x1  }
0xc6: {  	_ =	sfence.sel $0xFFFF  }
0xc7: {  	[dreg:$0x0] =	wrdreg $0xFFFFFFFF;
	(pc) =	sbr.abs _section_cstart, $3  }
0xc8: {  	[dreg:$0x1] =	wrdreg $0xFFFFFFFF  }
0xc9: {  	_ =	task.clear_ibuf [dreg:s9], $0x2FFFF;
	_ =	strace $0x9FFFFFFF  }
0xca: {  	(tm) =	ssettm $0x7FFFFFFF  }
0xcb: {  	_ =	shalt  }
tec
execute0_lowered:
.L_overlay_start_1:
0x0: {  	(tag) =	ssettag $0x1  }
0x1: {  	s12 =	rddreg [dreg:$0x0]  }
0x2: {  	s1 =	rddreg [dreg:$0x1]  }
0x3: {  	s2 =	rddreg [dreg:$0x2]  }
0x4: {  	s3 =	rddreg [dreg:$0x3]  }
0x5: {  	s0 =	rddreg [dreg:$0x4];
	s4 =	simm.s32 $0x0  }
0x6: {  	s5 =	srdreg.scid;
	s17 =	simm.s32 $0x10480;
	s18 =	simm.s32 $0x40  }
0x7: {  	s19 =	simm.s32 $0x10500;
	s20 =	simm.s32 $0x1;
	s21 =	simm.s32 $0x10580  }
0x8: {  	s22 =	simm.s32 $0x50;
	s23 =	simm.s32 $0x10680;
	s24 =	simm.s32 $0x10700  }
0x9: {  	s25 =	simm.s32 $0x0;
	[smem:$0x7FF] =	sst s4;
	s6 =	sadd.s32 $0x3EE00, s12  }
0xa: {  	v0 =	vlaneseq.u32;
	s14 =	sand.u32 $0x1, s5;
	s7 =	sadd.s32 $0x3F000, s12;
	s5 =	stileid.u32  }
0xb: {  	s8 =	sadd.s32 $0x20400, s12;
	s9 =	sadd.s32 $0x1A00, s12;
	s10 =	sadd.s32 $0x3F200, s12;
	v0 =	vmul.u32 $0x3, v0  }
.Ltmp0:
0xc: {  	v1 =	vimm.f32 $0.0e+00;
	v13 =	vimm.s32 $0x0;
	s12 =	sadd.s32 $0x5DA40, s12;
	_ =	strace $0x80000047;
	(pc) =	sbr.rel .LBB2_1-.Ltmp0, $4  }
0xd: {  	v14 =	vimm.f32 $1.000000000e+00;
	s11 =	ssub.s32 $0x2, s14;
	s15 =	smul.u32 $0x1E84, s5;
	s16 =	sor.u32 s5, s14;
	v2 =	vadd.s32 $0x30, v0;
	v3 =	vadd.s32 $0x60, v0  }
0xe: {  	p0 =	sne.s32 s14, $0x0;
	s14 =	simm.s32 $0x1000;
	s13 =	sshrl.u32 s11, $0x1;
	v4 =	vadd.s32 $0x90, v0;
	v5 =	vadd.s32 $0x1, v0;
	v6 =	vadd.s32 $0x31, v0  }
0xf: {  	p1 =	sne.s32 s16, $0x0;
	s16 =	simm.s32 $0x800;
	v7 =	vadd.s32 $0x61, v0;
	v8 =	vadd.s32 $0x91, v0;
	v9 =	vadd.s32 $0x2, v0;
	s13 =	ssub.s32 s11, s13  }
0x10: {  	v10 =	vadd.s32 $0x32, v0;
	v11 =	vadd.s32 $0x62, v0;
	v12 =	vadd.s32 $0x92, v0;
	s11 =	sadd.s32 s10, s15;
	s15 =	simm.s32 $0x2;
	s13 =	smax.u32 s13, $0x1  }
.LBB2_4:
0x11: {  	[tilespmem:s28+$0x1000] =	vst v1  }
0x12: {  	[hbm4b:s11+s4] =	stream.linear.scatter [tilespmem:s14], [sflag:$0x2], $0xF420, $0x38;
	[tilespmem:$0x10780] =	vst v63  }
0x13: {  	_ =	swait.ge [sflag:s15], $0xF420  }
0x14: {  	[sflag:s15] =	ssyncset.done $0x0  }
0x15: {  	[sflag:s15] =	ssyncadd.s32 $0xFFFF0BE0  }
.LBB2_5:
.Ltmp1:
0x16: {  	(pc) =	sbr.rel @!p1 .LBB2_6-.Ltmp1, $1  }
0x17: {  	_ =	sdelay $0x3  }
0x18: {  	[bflag:$0x0] =	sbarrier.arrive $0xFFFF  }
.LBB2_10:
0x19: {  	s25 =	sadd.s32 $0x1, s25  }
0x1a: {  	p2 =	sne.s32 s25, s13  }
.Ltmp2:
0x1b: {  	_ = 	snop;
	(pc) =	sbr.rel @!p2 .LBB2_11-.Ltmp2, $1  }
0x1c: {  	_ =	sdelay $0x3  }
.LBB2_1:
.Ltmp3:
0x1d: {  	(pc) =	sbr.rel @p0 .LBB2_5-.Ltmp3, $1  }
0x1e: {  	_ =	sdelay $0x3  }
0x1f: {  	s26 =	simm.s32 $0x40;
	s28 =	simm.s32 $0x0  }
.LBB2_3:
0x20: {  	p2 =	sne.s32 s26, $0x3D040;
	[tilespmem:s28+$0x1000] =	vst v1;
	s28 =	smov.u32 s26;
	s26 =	sadd.s32 $0x40, s26  }
.Ltmp4:
0x21: {  	(pc) =	sbr.rel @p2 .LBB2_3-.Ltmp4, $2  }
0x22: {  	_ =	sdelay $0x2  }
0x23: {  	s28 =	sshra.s32 s28, $0x2  }
.Ltmp5:
0x24: {  	_ = 	snop;
	(pc) =	sbr.rel .LBB2_4-.Ltmp5, $1  }
0x25: {  	_ =	sdelay $0x3  }
.LBB2_6:
0x26: {  	s26 =	simm.s32 $0x0  }
0x27: {  	[hbm4b:s12+s26] =	stream.linear.scatter [tilespmem:s14], [sflag:$0x2], $0x40, $0x38;
	[tilespmem:$0x10780] =	vst v63  }
0x28: {  	_ =	swait.ge [sflag:s15], $0x40  }
0x29: {  	[sflag:s15] =	ssyncset.done $0x0  }
0x2a: {  	[sflag:s15] =	ssyncadd.s32 $0xFFFFFFC0  }
0x2b: {  	[bflag:$0x0] =	sbarrier.arrive $0xFFFF  }
0x2c: {  	[tilespmem:s26], [sflag:$0x2] =	stream.linear.gather [hbm4b:s6+s26], $0x800, $0x38;
	[tilespmem:$0x10780] =	vst v63  }
0x2d: {  	_ =	swait.ge [sflag:s15], $0x800  }
0x2e: {  	[sflag:s15] =	ssyncset.done $0x0  }
0x2f: {  	[sflag:s15] =	ssyncadd.s32 $0xFFFFF800  }
0x30: {  	[tilespmem:s16], [sflag:$0x2] =	stream.linear.gather [hbm4b:s7+s26], $0x800, $0x38;
	[tilespmem:$0x10780] =	vst v63  }
0x31: {  	_ =	swait.ge [sflag:s15], $0x800  }
0x32: {  	[sflag:s15] =	ssyncset.done $0x0  }
0x33: {  	s28 =	simm.s32 $0x0;
	[sflag:s15] =	ssyncadd.s32 $0xFFFFF800  }
0x34: {  	v16 =	vld [tilespmem:s28+$0x0]  }
0x35: {  	v17 =	vld [tilespmem:s28+$0x10]  }
0x36: {  	v20 =	vld [tilespmem:s28+$0x20]  }
0x37: {  	v24 =	vld [tilespmem:s28+$0x30]  }
0x38: {  	v25 =	vld [tilespmem:s28+$0x800]  }
0x39: {  	v28 =	vld [tilespmem:s28+$0x810]  }
0x3a: {  	v26 =	vimm.f32 $+Inf;
	v18 =	vld [tilespmem:s28+$0x820]  }
0x3b: {  	v15 =	vimm.s32 $0x0;
	s26 =	simm.s32 $0x80;
	v19 =	vld [tilespmem:s28+$0x830];
	vm2 =	vlt.f32 v16, v26;
	vm3 =	vlt.f32 v17, v26  }
0x3c: {  	v21 =	vld [tilespmem:s26+$0x0];
	vm1 =	vlt.f32 v20, v26;
	vm0 =	vlt.f32 v24, v26;
	v16 =	vsel vm2, v16, v26  }
0x3d: {  	v22 =	vld [tilespmem:s26+$0x10];
	v23 =	vsel vm3, v17, v26;
	v20 =	vsel vm1, v20, v26;
	v17 =	vsel vm0, v24, v26  }
0x3e: {  	s28 =	simm.s32 $0x400;
	v26 =	vld [tilespmem:s26+$0x20];
	v27 =	vsel vm2, v25, v15;
	v25 =	vsel vm3, v28, v15;
	v24 =	vimm.s32 $0x0  }
.LBB2_7:
0x3f: {  	p2 =	sne.s32 s28, $0x1E00;
	v28 =	vld [tilespmem:s26+$0x30];
	v15 =	vsel vm1, v18, v15  }
0x40: {  	v29 =	vld [tilespmem:s26+$0x800];
	v24 =	vsel vm0, v19, v24  }
0x41: {  	v30 =	vld [tilespmem:s26+$0x810]  }
.Ltmp6:
0x42: {  	vm2 =	vlt.f32 v21, v16;
	v18 =	vld [tilespmem:s26+$0x820];
	(pc) =	sbr.rel @p2 .LBB2_7-.Ltmp6, $4  }
0x43: {  	v16 =	vsel vm2, v21, v16;
	v19 =	vld [tilespmem:s26+$0x830];
	s26 =	sshra.s32 s28, $0x2  }
0x44: {  	vm3 =	vlt.f32 v22, v23;
	vm1 =	vlt.f32 v26, v20;
	v21 =	vld [tilespmem:s26+$0x0];
	vm0 =	vlt.f32 v28, v17  }
0x45: {  	v23 =	vsel vm3, v22, v23;
	v20 =	vsel vm1, v26, v20;
	v22 =	vld [tilespmem:s26+$0x10];
	v17 =	vsel vm0, v28, v17  }
0x46: {  	s28 =	sadd.s32 $0x200, s28;
	v27 =	vsel vm2, v29, v27;
	v26 =	vld [tilespmem:s26+$0x20];
	v25 =	vsel vm3, v30, v25  }
0x47: {  	v28 =	vld [tilespmem:s26+$0x30]  }
0x48: {  	v29 =	vld [tilespmem:s26+$0x800]  }
0x49: {  	v30 =	vld [tilespmem:s26+$0x810]  }
0x4a: {  	v31 =	vld [tilespmem:s26+$0x820]  }
0x4b: {  	v32 =	vld [tilespmem:s26+$0x830]  }
0x4c: {  	vm2 =	vlt.f32 v21, v16  }
0x4d: {  	vm3 =	vlt.f32 v22, v23;
	v16 =	vsel vm2, v29, v27  }
0x4e: {  	v15 =	vsel vm1, v18, v15;
	vm14 =	vlt.f32 v26, v20;
	v60 =	vsel vm3, v30, v25;
	[tilespmem:$0x10480] =	vst v16  }
0x4f: {  	v19 =	vsel vm0, v19, v24;
	vm15 =	vlt.f32 v28, v17;
	v15 =	vsel vm14, v31, v15;
	[tilespmem:$0x10490] =	vst v60  }
0x50: {  	v17 =	vsel vm15, v32, v19;
	[tilespmem:$0x104A0] =	vst v15  }
0x51: {  	[tilespmem:$0x104B0] =	vst v17  }
0x52: {  	[hbm4b:s2+s4] =	stream.linear.scatter [tilespmem:s17], [sflag:$0x2], $0x80, $0x38;
	[tilespmem:$0x10780] =	vst v63  }
0x53: {  	_ =	swait.ge [sflag:s15], $0x80  }
0x54: {  	[sflag:s15] =	ssyncset.done $0x0  }
0x55: {  	[sflag:s15] =	ssyncadd.s32 $0xFFFFFF80  }
0x56: {  	[tilespmem:s19], [sflag:$0x1] =	stream.indirect.gather [hbm4b:s1+s18], $0x1, s17, s18, $0xb8;
	[tilespmem:$0x10780] =	vst v63  }
0x57: {  	_ =	swait.ge [sflag:s20], $0x40  }
0x58: {  	[sflag:s20] =	ssyncset.done $0x0  }
0x59: {  	[sflag:s20] =	ssyncadd.s32 $0xFFFFFFC0  }
0x5a: {  	v61 =	vld [tilespmem:$0x10500];
	_ =	sdelay $0x4  }
0x5b: {  	[tilespmem:v0+s21+$0x0] =	vst.idx.msk $0xffff, v61  }
0x5c: {  	v19 =	vld [tilespmem:$0x10510];
	_ =	sdelay $0x4  }
0x5d: {  	[tilespmem:v2+s21+$0x0] =	vst.idx.msk $0xffff, v19  }
0x5e: {  	v19 =	vld [tilespmem:$0x10520];
	_ =	sdelay $0x4  }
0x5f: {  	[tilespmem:v3+s21+$0x0] =	vst.idx.msk $0xffff, v19  }
0x60: {  	v19 =	vld [tilespmem:$0x10530];
	_ =	sdelay $0x4  }
0x61: {  	[tilespmem:v4+s21+$0x0] =	vst.idx.msk $0xffff, v19  }
0x62: {  	[tilespmem:s19], [sflag:$0x1] =	stream.indirect.gather [hbm4b:s8+s18], $0x1, s17, s18, $0xb8;
	[tilespmem:$0x10780] =	vst v63  }
0x63: {  	_ =	swait.ge [sflag:s20], $0x40  }
0x64: {  	[sflag:s20] =	ssyncset.done $0x0  }
0x65: {  	[sflag:s20] =	ssyncadd.s32 $0xFFFFFFC0  }
0x66: {  	v62 =	vld [tilespmem:$0x10500];
	_ =	sdelay $0x4  }
0x67: {  	[tilespmem:v5+s21+$0x0] =	vst.idx.msk $0xffff, v62  }
0x68: {  	v19 =	vld [tilespmem:$0x10510];
	_ =	sdelay $0x4  }
0x69: {  	[tilespmem:v6+s21+$0x0] =	vst.idx.msk $0xffff, v19  }
0x6a: {  	v19 =	vld [tilespmem:$0x10520];
	_ =	sdelay $0x4  }
0x6b: {  	[tilespmem:v7+s21+$0x0] =	vst.idx.msk $0xffff, v19  }
0x6c: {  	v19 =	vld [tilespmem:$0x10530];
	_ =	sdelay $0x4  }
0x6d: {  	[tilespmem:v8+s21+$0x0] =	vst.idx.msk $0xffff, v19  }
0x6e: {  	[tilespmem:s19], [sflag:$0x1] =	stream.indirect.gather [hbm4b:s9+s18], $0x1, s17, s18, $0xb8;
	[tilespmem:$0x10780] =	vst v63  }
0x6f: {  	_ =	swait.ge [sflag:s20], $0x40  }
0x70: {  	[sflag:s20] =	ssyncset.done $0x0  }
0x71: {  	[sflag:s20] =	ssyncadd.s32 $0xFFFFFFC0  }
0x72: {  	v63 =	vld [tilespmem:$0x10500];
	_ =	sdelay $0x4  }
0x73: {  	[tilespmem:v9+s21+$0x0] =	vst.idx.msk $0xffff, v63  }
0x74: {  	v19 =	vld [tilespmem:$0x10510];
	_ =	sdelay $0x4  }
0x75: {  	[tilespmem:v10+s21+$0x0] =	vst.idx.msk $0xffff, v19  }
0x76: {  	v19 =	vld [tilespmem:$0x10520];
	_ =	sdelay $0x4  }
0x77: {  	[tilespmem:v11+s21+$0x0] =	vst.idx.msk $0xffff, v19  }
0x78: {  	v19 =	vld [tilespmem:$0x10530];
	_ =	sdelay $0x4  }
0x79: {  	[tilespmem:v12+s21+$0x0] =	vst.idx.msk $0xffff, v19  }
0x7a: {  	[hbm4b:s3+s4] =	stream.linear.scatter [tilespmem:s21], [sflag:$0x2], $0x100, $0x38;
	[tilespmem:$0x10780] =	vst v63  }
0x7b: {  	_ =	swait.ge [sflag:s15], $0x100  }
0x7c: {  	[sflag:s15] =	ssyncset.done $0x0  }
0x7d: {  	[sflag:s15] =	ssyncadd.s32 $0xFFFFFF00  }
0x7e: {  	[tilespmem:$0x10680] =	vst v16  }
0x7f: {  	[tilespmem:$0x10690] =	vst v60  }
0x80: {  	[tilespmem:$0x106A0] =	vst v15  }
0x81: {  	[tilespmem:$0x106B0] =	vst v17  }
0x82: {  	[tilespmem:$0x106C0] =	vst v13  }
0x83: {  	[tilespmem:$0x10700] =	vst v14  }
0x84: {  	[tilespmem:$0x10710] =	vst v14  }
0x85: {  	[tilespmem:$0x10720] =	vst v14  }
0x86: {  	[tilespmem:$0x10730] =	vst v14  }
.Ltmp7:
0x87: {  	[tilespmem:$0x10740] =	vst v14;
	(pc) =	sbr.rel .LBB2_10-.Ltmp7, $4  }
0x88: {  	[hbm4b:s10+s22] =	stream.indirect.scatter [tilespmem:s24], [sflag:$0x1], $0x1, s23, s22, $0xb8;
	[tilespmem:$0x10780] =	vst v63  }
0x89: {  	_ =	swait.ge [sflag:s20], $0x50  }
0x8a: {  	[sflag:s20] =	ssyncset.done $0x0  }
0x8b: {  	[sflag:s20] =	ssyncadd.s32 $0xFFFFFFB0  }
.LBB2_11:
0x8c: {  	_ =	sfence.sel $0x180000  }
0x8d: {  	[bflag:$0x0] =	sbarrier.arrive $0xFFFF  }
0x8e: {  	p0 =	sne.s32 s5, $0x0;
	_ =	strace $0x90000047  }
0x8f: {  	s0 =	sadd.s32 @!p0 $0x100000, s0;
	[bflag:$0x2] =	sbarrier.arrive $0xFFFF  }
0x90: {  	[sflag:s0] =	ssyncadd.tile.s32 @!p0 $0x1;
	_ =	shalt  }
.Lfunc_end2:
_tile_overlayer_lowered:
.L_overlay_start_2:
0x91: {  	(tag) =	ssettag $0x2  }
0x92: {  	s0 =	rddreg [dreg:$0x0];
	s2 =	stileid.u32  }
0x93: {  	s1 =	rddreg [dreg:$0x1];
	p0 =	sne.s32 s2, $0x0  }
0x94: {  	s3 =	rddreg [dreg:$0x2];
	[bflag:$0x3] =	sbarrier.arrive $0xFFFF;
	s2 =	simm.s32 @!p0 $0x1C02  }
0x95: {  	[timem:s3], [sflag:s2] =	dma.local @!p0 [hbm:s0], s1  }
0x96: {  	s0 =	simm.s32 @!p0 $0x2  }
0x97: {  	_ =	swait.ge @!p0 [sflag:s0], s1  }
0x98: {  	s1 =	ssub.s32 @!p0 $0x0, s1;
	[sflag:s0] =	ssyncset.done @!p0 $0x0  }
0x99: {  	[sflag:s0] =	ssyncadd.s32 @!p0 s1  }
0x9a: {  	[bflag:$0x3] =	sbarrier.arrive $0xFFFF  }
0x9b: {  	_ =	shalt  }

</sc_bundles>
